<compile_context>
chip_gen: v7x
topology: tpu7x:2x2x1
jax: 0.10.2.dev20260603
libtpu: 0.0.44.dev20260713+nightly
codegen_flags: <defaults>
</compile_context>

<pallas_src>
import functools

import jax
import jax.numpy as jnp
from jax import lax
from jax.experimental import pallas as pl
from jax.experimental.pallas import tpu as pltpu
from jax.experimental.pallas import tpu_sc as plsc

N_NODES = 10000
N_EDGES = 320000
EMB_DIM = 128
MAX_DEG = 256

NC = 2
NS = 16
NW = NC * NS
EDGES_PER_W = N_EDGES // NW

BINS = 10240
NODE_BLK = 5120
TC_GRID = (N_NODES + NODE_BLK - 1) // NODE_BLK


def _i(v):
    return jnp.int32(v)


def _sc_degree_body(edges_hbm, out_hbm, src_v, dst_v,
                    hin_v, hout_v, hin2_v, hout2_v, sem):
    c = lax.axis_index("c")
    s = lax.axis_index("s")
    w = c * _i(NS) + s
    base = w * _i(EDGES_PER_W)

    cp_s = pltpu.async_copy(edges_hbm.at[pl.ds(base, EDGES_PER_W)], src_v, sem)
    cp_d = pltpu.async_copy(
        edges_hbm.at[pl.ds(base + _i(N_EDGES), EDGES_PER_W)], dst_v, sem)

    zeros = jnp.zeros((16,), jnp.int32)

    @plsc.parallel_loop(_i(0), _i(BINS // 32), _i(1), unroll=2)
    def _(i):
        o = i * _i(32)
        for hv in (hin_v, hout_v, hin2_v, hout2_v):
            hv[pl.ds(o, 16)] = zeros
            hv[pl.ds(o + _i(16), 16)] = zeros

    cp_s.wait()
    cp_d.wait()

    ones = jnp.ones((16,), jnp.int32)

    @plsc.parallel_loop(_i(0), _i(EDGES_PER_W // 32), _i(1), unroll=2)
    def _(i):
        o2 = i * _i(32)
        for k, (hi, ho) in enumerate(((hin_v, hout_v), (hin2_v, hout2_v))):
            ok = o2 + _i(16 * k)
            sv = src_v[pl.ds(ok, 16)]
            dv = dst_v[pl.ds(ok, 16)]
            m = sv != dv
            plsc.addupdate_scatter(ho, [sv], ones, mask=m)
            plsc.addupdate_scatter(hi, [dv], ones, mask=m)

    for r in range(EDGES_PER_W - EDGES_PER_W % 32, EDGES_PER_W, 16):
        sv = src_v[pl.ds(_i(r), 16)]
        dv = dst_v[pl.ds(_i(r), 16)]
        m = sv != dv
        plsc.addupdate_scatter(hout_v, [sv], ones, mask=m)
        plsc.addupdate_scatter(hin_v, [dv], ones, mask=m)

    pltpu.sync_copy(hin_v, out_hbm.at[w])
    pltpu.sync_copy(hin2_v, out_hbm.at[_i(NW) + w])
    pltpu.sync_copy(hout_v, out_hbm.at[_i(2 * NW) + w])
    pltpu.sync_copy(hout2_v, out_hbm.at[_i(3 * NW) + w])


@functools.cache
def _get_sc_degree():
    return functools.partial(
        pl.kernel,
        out_type=jax.ShapeDtypeStruct((4 * NW, BINS), jnp.int32),
        mesh=plsc.VectorSubcoreMesh(core_axis_name="c", subcore_axis_name="s"),
        compiler_params=pltpu.CompilerParams(needs_layout_passes=False),
        scratch_types=[
            pltpu.VMEM((EDGES_PER_W,), jnp.int32),
            pltpu.VMEM((EDGES_PER_W,), jnp.int32),
            pltpu.VMEM((BINS,), jnp.int32),
            pltpu.VMEM((BINS,), jnp.int32),
            pltpu.VMEM((BINS,), jnp.int32),
            pltpu.VMEM((BINS,), jnp.int32),
            pltpu.SemaphoreType.DMA,
        ],
    )(_sc_degree_body)


def _tc_lookup_body(x_ref, deg_ref, win_ref, wout_ref, o_ref):
    part = deg_ref[...]
    din = jnp.minimum(
        jnp.sum(part[:2 * NW], axis=0, keepdims=True, dtype=jnp.int32),
        MAX_DEG - 1)
    dout = jnp.minimum(
        jnp.sum(part[2 * NW:], axis=0, keepdims=True, dtype=jnp.int32),
        MAX_DEG - 1)
    iot = lax.broadcasted_iota(jnp.int32, (MAX_DEG, NODE_BLK), 0)
    oh_in = (jnp.broadcast_to(din, (MAX_DEG, NODE_BLK)) == iot).astype(jnp.bfloat16)
    oh_out = (jnp.broadcast_to(dout, (MAX_DEG, NODE_BLK)) == iot).astype(jnp.bfloat16)
    dn = (((0,), (0,)), ((), ()))

    def _split2(t):
        t1 = t.astype(jnp.bfloat16)
        t2 = (t - t1.astype(jnp.float32)).astype(jnp.bfloat16)
        return (t1, t2)

    acc = x_ref[...]
    for oh, tref in ((oh_in, win_ref), (oh_out, wout_ref)):
        for tk in _split2(tref[...]):
            acc = acc + lax.dot_general(oh, tk, dn,
                                        preferred_element_type=jnp.float32)
    o_ref[...] = acc


def _tc_lookup(x, partial, w_in, w_out):
    return pl.pallas_call(
        _tc_lookup_body,
        grid=(TC_GRID,),
        in_specs=[
            pl.BlockSpec((NODE_BLK, EMB_DIM), lambda i: (i, _i(0))),
            pl.BlockSpec((4 * NW, NODE_BLK), lambda i: (_i(0), i)),
            pl.BlockSpec((MAX_DEG, EMB_DIM), lambda i: (_i(0), _i(0))),
            pl.BlockSpec((MAX_DEG, EMB_DIM), lambda i: (_i(0), _i(0))),
        ],
        out_specs=pl.BlockSpec((NODE_BLK, EMB_DIM), lambda i: (i, _i(0))),
        out_shape=jax.ShapeDtypeStruct((N_NODES, EMB_DIM), jnp.float32),
    )(x, partial, w_in, w_out)


def kernel(x, edge_index, in_emb_weight, out_emb_weight):
    e_flat = edge_index.astype(jnp.int32).reshape(2 * N_EDGES)
    partial = _get_sc_degree()(e_flat)
    return _tc_lookup(x, partial, in_emb_weight, out_emb_weight)

# --- scband reference (transcript-rebuilt; emitter-appended) ---
"""Pipeline reference for scband-graphormer-centrality-14147622273427 (READ-ONLY COPY).

The authoritative reference and input builder live on the scoring server;
editing this copy changes nothing except your own understanding.
"""

import jax, jax.numpy as jnp
import numpy as np

jax.config.update('jax_enable_x64', True)

N_NODES = 10000
N_EDGES = 320000
EMB_DIM = 128
MAX_DEG = 256
COUNT_SELF_LOOPS = False


def setup_inputs(seed: int = 0) -> dict:
    key = jax.random.key(seed)
    k1, k2, k3, k4 = jax.random.split(key, 4)
    x = jax.random.normal(k1, (N_NODES, EMB_DIM), dtype=jnp.float32)
    edge_index = jax.random.randint(k2, (2, N_EDGES), 0, N_NODES, dtype=jnp.int64)
    in_emb_weight = jax.random.normal(k3, (MAX_DEG, EMB_DIM), dtype=jnp.float32)
    out_emb_weight = jax.random.normal(k4, (MAX_DEG, EMB_DIM), dtype=jnp.float32)
    return {'x': x, 'edge_index': edge_index, 'in_emb_weight': in_emb_weight, 'out_emb_weight': out_emb_weight}


def _degree(edge_index, num_nodes, which):
    # which: 'in' -> count on edge_index[1] (dst), 'out' -> count on edge_index[0] (src)
    col = 1 if which == 'in' else 0
    src, dst = edge_index[0], edge_index[1]
    if COUNT_SELF_LOOPS:
        w = jnp.ones((edge_index.shape[1],), dtype=jnp.int64)
    else:
        # remove_self_loops: zero-weight the self-loop edges (shape-static equivalent)
        w = jnp.where(src != dst, 1, 0).astype(jnp.int64)
    d = jax.ops.segment_sum(w, edge_index[col], num_segments=num_nodes)
    return jnp.minimum(d, MAX_DEG - 1)


def reference(x, edge_index, in_emb_weight, out_emb_weight):
    in_deg = _degree(edge_index, N_NODES, 'in')
    out_deg = _degree(edge_index, N_NODES, 'out')
    out = x + jnp.take(in_emb_weight, in_deg, axis=0) + jnp.take(out_emb_weight, out_deg, axis=0)
    return out

if __name__ == "__main__":
    import jax
    _d = setup_inputs()
    print(jax.jit(kernel)(*tuple(_d.values())))

</pallas_src>

<mosaic_0001>
#map = affine_map<(d0, d1) -> (0)>
#map1 = affine_map<(d0, d1) -> (0, 0)>
module attributes {stable_mosaic.version = 14 : i64} {
  func.func @_sc_degree_body(%arg0: i32, %arg1: i32, %arg2: memref<640000xi32, #tpu.memory_space<hbm>>, %arg3: memref<128x10240xi32, #tpu.memory_space<hbm>>, %arg4: memref<10000xi32, #tpu.memory_space<vmem>>, %arg5: memref<10000xi32, #tpu.memory_space<vmem>>, %arg6: memref<10240xi32, #tpu.memory_space<vmem>>, %arg7: memref<10240xi32, #tpu.memory_space<vmem>>, %arg8: memref<10240xi32, #tpu.memory_space<vmem>>, %arg9: memref<10240xi32, #tpu.memory_space<vmem>>, %arg10: memref<!tpu.dma_semaphore, #tpu.memory_space<semaphore_mem>>) attributes {dimension_semantics = [#tpu.dimension_semantics<core_parallel>, #tpu.dimension_semantics<subcore_parallel>], iteration_bounds = array<i64: 2, 16>, scalar_prefetch = 0 : i64, scratch_operands = 7 : i64, tpu.core_type = #tpu.core_type<sc_vector_subcore>, window_params = [{transform_indices = #map}, {transform_indices = #map1}]} {
    %mul3A = arith.constant 16 : i32
    %mul3A_0 = arith.muli %arg0, %mul3A : i32
    %add3A = arith.addi %mul3A_0, %arg1 : i32
    %mul3A_1 = arith.constant 10000 : i32
    %mul3A_2 = arith.muli %add3A, %mul3A_1 : i32
    %dma_start3A = tpu.memref_slice %arg2[%mul3A_2] : memref<640000xi32, #tpu.memory_space<hbm>> -> memref<10000xi32, #tpu.memory_space<hbm>>
    %dma_start3A_3 = tpu.memref_slice %arg2[%mul3A_2] : memref<640000xi32, #tpu.memory_space<hbm>> -> memref<10000xi32, #tpu.memory_space<hbm>>
    tpu.enqueue_dma source(%dma_start3A_3 : memref<10000xi32, #tpu.memory_space<hbm>>) target(%arg4 : memref<10000xi32, #tpu.memory_space<vmem>>) target_semaphore(%arg10 : memref<!tpu.dma_semaphore, #tpu.memory_space<semaphore_mem>>)
    %add3A_4 = arith.constant 320000 : i32
    %add3A_5 = arith.addi %mul3A_2, %add3A_4 : i32
    %dma_start3A_6 = tpu.memref_slice %arg2[%add3A_5] : memref<640000xi32, #tpu.memory_space<hbm>> -> memref<10000xi32, #tpu.memory_space<hbm>>
    %dma_start3A_7 = tpu.memref_slice %arg2[%add3A_5] : memref<640000xi32, #tpu.memory_space<hbm>> -> memref<10000xi32, #tpu.memory_space<hbm>>
    tpu.enqueue_dma source(%dma_start3A_7 : memref<10000xi32, #tpu.memory_space<hbm>>) target(%arg5 : memref<10000xi32, #tpu.memory_space<vmem>>) target_semaphore(%arg10 : memref<!tpu.dma_semaphore, #tpu.memory_space<semaphore_mem>>)
    %broadcast_in_dim3A = arith.constant 0 : i32
    %broadcast_in_dim3A_8 = vector.broadcast %broadcast_in_dim3A : i32 to vector<16xi32>
    %parallel_loop3A = arith.constant 0 : i32
    %parallel_loop3A_9 = arith.constant 320 : i32
    %parallel_loop3A_10 = arith.constant 1 : i32
    scf.for %parallel_loop3A_30 = %parallel_loop3A to %parallel_loop3A_9 step %parallel_loop3A_10  : i32 {
      %parallel_loop3A_31 = arith.constant 32 : i32
      %parallel_loop3A_32 = arith.muli %parallel_loop3A_30, %parallel_loop3A_31 : i32
      %parallel_loop3A_33 = arith.index_cast %parallel_loop3A_32 : i32 to index
      %parallel_loop3A_34 = tpu.vector_load %arg6[%parallel_loop3A_33] {strides = array<i32>} : memref<10240xi32, #tpu.memory_space<vmem>>, vector<16xi32>,
      tpu.vector_store %arg6[%parallel_loop3A_33], %broadcast_in_dim3A_8 {strides = array<i32>} : memref<10240xi32, #tpu.memory_space<vmem>>, vector<16xi32>,
      %parallel_loop3A_35 = arith.constant 16 : i32
      %parallel_loop3A_36 = arith.addi %parallel_loop3A_32, %parallel_loop3A_35 : i32
      %parallel_loop3A_37 = arith.index_cast %parallel_loop3A_36 : i32 to index
      %parallel_loop3A_38 = tpu.vector_load %arg6[%parallel_loop3A_37] {strides = array<i32>} : memref<10240xi32, #tpu.memory_space<vmem>>, vector<16xi32>,
      tpu.vector_store %arg6[%parallel_loop3A_37], %broadcast_in_dim3A_8 {strides = array<i32>} : memref<10240xi32, #tpu.memory_space<vmem>>, vector<16xi32>,
      %parallel_loop3A_39 = arith.index_cast %parallel_loop3A_32 : i32 to index
      %parallel_loop3A_40 = tpu.vector_load %arg7[%parallel_loop3A_39] {strides = array<i32>} : memref<10240xi32, #tpu.memory_space<vmem>>, vector<16xi32>,
      tpu.vector_store %arg7[%parallel_loop3A_39], %broadcast_in_dim3A_8 {strides = array<i32>} : memref<10240xi32, #tpu.memory_space<vmem>>, vector<16xi32>,
      %parallel_loop3A_41 = arith.constant 16 : i32
      %parallel_loop3A_42 = arith.addi %parallel_loop3A_32, %parallel_loop3A_41 : i32
      %parallel_loop3A_43 = arith.index_cast %parallel_loop3A_42 : i32 to index
      %parallel_loop3A_44 = tpu.vector_load %arg7[%parallel_loop3A_43] {strides = array<i32>} : memref<10240xi32, #tpu.memory_space<vmem>>, vector<16xi32>,
      tpu.vector_store %arg7[%parallel_loop3A_43], %broadcast_in_dim3A_8 {strides = array<i32>} : memref<10240xi32, #tpu.memory_space<vmem>>, vector<16xi32>,
      %parallel_loop3A_45 = arith.index_cast %parallel_loop3A_32 : i32 to index
      %parallel_loop3A_46 = tpu.vector_load %arg8[%parallel_loop3A_45] {strides = array<i32>} : memref<10240xi32, #tpu.memory_space<vmem>>, vector<16xi32>,
      tpu.vector_store %arg8[%parallel_loop3A_45], %broadcast_in_dim3A_8 {strides = array<i32>} : memref<10240xi32, #tpu.memory_space<vmem>>, vector<16xi32>,
      %parallel_loop3A_47 = arith.constant 16 : i32
      %parallel_loop3A_48 = arith.addi %parallel_loop3A_32, %parallel_loop3A_47 : i32
      %parallel_loop3A_49 = arith.index_cast %parallel_loop3A_48 : i32 to index
      %parallel_loop3A_50 = tpu.vector_load %arg8[%parallel_loop3A_49] {strides = array<i32>} : memref<10240xi32, #tpu.memory_space<vmem>>, vector<16xi32>,
      tpu.vector_store %arg8[%parallel_loop3A_49], %broadcast_in_dim3A_8 {strides = array<i32>} : memref<10240xi32, #tpu.memory_space<vmem>>, vector<16xi32>,
      %parallel_loop3A_51 = arith.index_cast %parallel_loop3A_32 : i32 to index
      %parallel_loop3A_52 = tpu.vector_load %arg9[%parallel_loop3A_51] {strides = array<i32>} : memref<10240xi32, #tpu.memory_space<vmem>>, vector<16xi32>,
      tpu.vector_store %arg9[%parallel_loop3A_51], %broadcast_in_dim3A_8 {strides = array<i32>} : memref<10240xi32, #tpu.memory_space<vmem>>, vector<16xi32>,
      %parallel_loop3A_53 = arith.constant 16 : i32
      %parallel_loop3A_54 = arith.addi %parallel_loop3A_32, %parallel_loop3A_53 : i32
      %parallel_loop3A_55 = arith.index_cast %parallel_loop3A_54 : i32 to index
      %parallel_loop3A_56 = tpu.vector_load %arg9[%parallel_loop3A_55] {strides = array<i32>} : memref<10240xi32, #tpu.memory_space<vmem>>, vector<16xi32>,
      tpu.vector_store %arg9[%parallel_loop3A_55], %broadcast_in_dim3A_8 {strides = array<i32>} : memref<10240xi32, #tpu.memory_space<vmem>>, vector<16xi32>,
    } {sc.loop_unroll_factor = 2 : i64, sc.parallel_access}
    %dma_wait3A = tpu.memref_slice %arg2[%mul3A_2] : memref<640000xi32, #tpu.memory_space<hbm>> -> memref<10000xi32, #tpu.memory_space<hbm>>
    %dma_wait3A_11 = tpu.memref_slice %arg2[%mul3A_2] : memref<640000xi32, #tpu.memory_space<hbm>> -> memref<10000xi32, #tpu.memory_space<hbm>>
    tpu.wait_dma2 semaphore(%arg10 : memref<!tpu.dma_semaphore, #tpu.memory_space<semaphore_mem>>) src(%dma_wait3A_11 : memref<10000xi32, #tpu.memory_space<hbm>>) dst(%arg4 : memref<10000xi32, #tpu.memory_space<vmem>>)
    %dma_wait3A_12 = tpu.memref_slice %arg2[%add3A_5] : memref<640000xi32, #tpu.memory_space<hbm>> -> memref<10000xi32, #tpu.memory_space<hbm>>
    %dma_wait3A_13 = tpu.memref_slice %arg2[%add3A_5] : memref<640000xi32, #tpu.memory_space<hbm>> -> memref<10000xi32, #tpu.memory_space<hbm>>
    tpu.wait_dma2 semaphore(%arg10 : memref<!tpu.dma_semaphore, #tpu.memory_space<semaphore_mem>>) src(%dma_wait3A_13 : memref<10000xi32, #tpu.memory_space<hbm>>) dst(%arg5 : memref<10000xi32, #tpu.memory_space<vmem>>)
    %broadcast_in_dim3A_14 = arith.constant 1 : i32
    %broadcast_in_dim3A_15 = vector.broadcast %broadcast_in_dim3A_14 : i32 to vector<16xi32>
    %parallel_loop3A_16 = arith.constant 0 : i32
    %parallel_loop3A_17 = arith.constant 312 : i32
    %parallel_loop3A_18 = arith.constant 1 : i32
    scf.for %parallel_loop3A_30 = %parallel_loop3A_16 to %parallel_loop3A_17 step %parallel_loop3A_18  : i32 {
      %parallel_loop3A_31 = arith.constant 32 : i32
      %parallel_loop3A_32 = arith.muli %parallel_loop3A_30, %parallel_loop3A_31 : i32
      %parallel_loop3A_33 = arith.constant 0 : i32
      %parallel_loop3A_34 = arith.addi %parallel_loop3A_32, %parallel_loop3A_33 : i32
      %parallel_loop3A_35 = arith.index_cast %parallel_loop3A_34 : i32 to index
      %parallel_loop3A_36 = tpu.vector_load %arg4[%parallel_loop3A_35] {strides = array<i32>} : memref<10000xi32, #tpu.memory_space<vmem>>, vector<16xi32>,
      %parallel_loop3A_37 = arith.index_cast %parallel_loop3A_34 : i32 to index
      %parallel_loop3A_38 = tpu.vector_load %arg5[%parallel_loop3A_37] {strides = array<i32>} : memref<10000xi32, #tpu.memory_space<vmem>>, vector<16xi32>,
      %parallel_loop3A_39 = arith.cmpi ne, %parallel_loop3A_36, %parallel_loop3A_38 : vector<16xi32>
      tpu.vector_store_idx %arg7[%parallel_loop3A_36], %broadcast_in_dim3A_15 masked %parallel_loop3A_39 {add = true} : memref<10240xi32, #tpu.memory_space<vmem>>[vector<16xi32>], vector<16xi32>, vector<16xi1>
      tpu.vector_store_idx %arg6[%parallel_loop3A_38], %broadcast_in_dim3A_15 masked %parallel_loop3A_39 {add = true} : memref<10240xi32, #tpu.memory_space<vmem>>[vector<16xi32>], vector<16xi32>, vector<16xi1>
      %parallel_loop3A_40 = arith.constant 16 : i32
      %parallel_loop3A_41 = arith.addi %parallel_loop3A_32, %parallel_loop3A_40 : i32
      %parallel_loop3A_42 = arith.index_cast %parallel_loop3A_41 : i32 to index
      %parallel_loop3A_43 = tpu.vector_load %arg4[%parallel_loop3A_42] {strides = array<i32>} : memref<10000xi32, #tpu.memory_space<vmem>>, vector<16xi32>,
      %parallel_loop3A_44 = arith.index_cast %parallel_loop3A_41 : i32 to index
      %parallel_loop3A_45 = tpu.vector_load %arg5[%parallel_loop3A_44] {strides = array<i32>} : memref<10000xi32, #tpu.memory_space<vmem>>, vector<16xi32>,
      %parallel_loop3A_46 = arith.cmpi ne, %parallel_loop3A_43, %parallel_loop3A_45 : vector<16xi32>
      tpu.vector_store_idx %arg9[%parallel_loop3A_43], %broadcast_in_dim3A_15 masked %parallel_loop3A_46 {add = true} : memref<10240xi32, #tpu.memory_space<vmem>>[vector<16xi32>], vector<16xi32>, vector<16xi1>
      tpu.vector_store_idx %arg8[%parallel_loop3A_45], %broadcast_in_dim3A_15 masked %parallel_loop3A_46 {add = true} : memref<10240xi32, #tpu.memory_space<vmem>>[vector<16xi32>], vector<16xi32>, vector<16xi1>
    } {sc.loop_unroll_factor = 2 : i64, sc.parallel_access}
    %get3A = arith.constant 9984 : i32
    %get3A_19 = arith.index_cast %get3A : i32 to index
    %get3A_20 = tpu.vector_load %arg4[%get3A_19] {strides = array<i32>} : memref<10000xi32, #tpu.memory_space<vmem>>, vector<16xi32>,
    %get3A_21 = arith.constant 9984 : i32
    %get3A_22 = arith.index_cast %get3A_21 : i32 to index
    %get3A_23 = tpu.vector_load %arg5[%get3A_22] {strides = array<i32>} : memref<10000xi32, #tpu.memory_space<vmem>>, vector<16xi32>,
    %ne3A = arith.cmpi ne, %get3A_20, %get3A_23 : vector<16xi32>
    tpu.vector_store_idx %arg7[%get3A_20], %broadcast_in_dim3A_15 masked %ne3A {add = true} : memref<10240xi32, #tpu.memory_space<vmem>>[vector<16xi32>], vector<16xi32>, vector<16xi1>
    tpu.vector_store_idx %arg6[%get3A_23], %broadcast_in_dim3A_15 masked %ne3A {add = true} : memref<10240xi32, #tpu.memory_space<vmem>>[vector<16xi32>], vector<16xi32>, vector<16xi1>
    "tpu.region"() ({
      %run_scoped3A = tpu.sem_alloc : memref<!tpu.dma_semaphore, #tpu.memory_space<semaphore_mem>>
      %dma_start3A_30 = arith.constant 0 : i32
      %dma_start3A_31 = tpu.memref_slice %arg3[%add3A, %dma_start3A_30] : memref<128x10240xi32, #tpu.memory_space<hbm>> -> memref<1x10240xi32, #tpu.memory_space<hbm>>
      %dma_start3A_32 = tpu.memref_squeeze %dma_start3A_31 : memref<1x10240xi32, #tpu.memory_space<hbm>> -> memref<10240xi32, #tpu.memory_space<hbm>>
      %dma_start3A_33 = arith.constant 0 : i32
      %dma_start3A_34 = tpu.memref_slice %arg3[%add3A, %dma_start3A_33] : memref<128x10240xi32, #tpu.memory_space<hbm>> -> memref<1x10240xi32, #tpu.memory_space<hbm>>
      %dma_start3A_35 = tpu.memref_squeeze %dma_start3A_34 : memref<1x10240xi32, #tpu.memory_space<hbm>> -> memref<10240xi32, #tpu.memory_space<hbm>>
      tpu.enqueue_dma source(%arg6 : memref<10240xi32, #tpu.memory_space<vmem>>) target(%dma_start3A_35 : memref<10240xi32, #tpu.memory_space<hbm>>) target_semaphore(%run_scoped3A : memref<!tpu.dma_semaphore, #tpu.memory_space<semaphore_mem>>)
      %dma_wait3A_36 = arith.constant 0 : i32
      %dma_wait3A_37 = tpu.memref_slice %arg3[%add3A, %dma_wait3A_36] : memref<128x10240xi32, #tpu.memory_space<hbm>> -> memref<1x10240xi32, #tpu.memory_space<hbm>>
      %dma_wait3A_38 = tpu.memref_squeeze %dma_wait3A_37 : memref<1x10240xi32, #tpu.memory_space<hbm>> -> memref<10240xi32, #tpu.memory_space<hbm>>
      %dma_wait3A_39 = arith.constant 0 : i32
      %dma_wait3A_40 = tpu.memref_slice %arg3[%add3A, %dma_wait3A_39] : memref<128x10240xi32, #tpu.memory_space<hbm>> -> memref<1x10240xi32, #tpu.memory_space<hbm>>
      %dma_wait3A_41 = tpu.memref_squeeze %dma_wait3A_40 : memref<1x10240xi32, #tpu.memory_space<hbm>> -> memref<10240xi32, #tpu.memory_space<hbm>>
      tpu.wait_dma2 semaphore(%run_scoped3A : memref<!tpu.dma_semaphore, #tpu.memory_space<semaphore_mem>>) src(%arg6 : memref<10240xi32, #tpu.memory_space<vmem>>) dst(%dma_wait3A_41 : memref<10240xi32, #tpu.memory_space<hbm>>)
      tpu.yield
    }) : () -> ()
    %add3A_24 = arith.constant 32 : i32
    %add3A_25 = arith.addi %add3A_24, %add3A : i32
    "tpu.region"() ({
      %run_scoped3A = tpu.sem_alloc : memref<!tpu.dma_semaphore, #tpu.memory_space<semaphore_mem>>
      %dma_start3A_30 = arith.constant 0 : i32
      %dma_start3A_31 = tpu.memref_slice %arg3[%add3A_25, %dma_start3A_30] : memref<128x10240xi32, #tpu.memory_space<hbm>> -> memref<1x10240xi32, #tpu.memory_space<hbm>>
      %dma_start3A_32 = tpu.memref_squeeze %dma_start3A_31 : memref<1x10240xi32, #tpu.memory_space<hbm>> -> memref<10240xi32, #tpu.memory_space<hbm>>
      %dma_start3A_33 = arith.constant 0 : i32
      %dma_start3A_34 = tpu.memref_slice %arg3[%add3A_25, %dma_start3A_33] : memref<128x10240xi32, #tpu.memory_space<hbm>> -> memref<1x10240xi32, #tpu.memory_space<hbm>>
      %dma_start3A_35 = tpu.memref_squeeze %dma_start3A_34 : memref<1x10240xi32, #tpu.memory_space<hbm>> -> memref<10240xi32, #tpu.memory_space<hbm>>
      tpu.enqueue_dma source(%arg8 : memref<10240xi32, #tpu.memory_space<vmem>>) target(%dma_start3A_35 : memref<10240xi32, #tpu.memory_space<hbm>>) target_semaphore(%run_scoped3A : memref<!tpu.dma_semaphore, #tpu.memory_space<semaphore_mem>>)
      %dma_wait3A_36 = arith.constant 0 : i32
      %dma_wait3A_37 = tpu.memref_slice %arg3[%add3A_25, %dma_wait3A_36] : memref<128x10240xi32, #tpu.memory_space<hbm>> -> memref<1x10240xi32, #tpu.memory_space<hbm>>
      %dma_wait3A_38 = tpu.memref_squeeze %dma_wait3A_37 : memref<1x10240xi32, #tpu.memory_space<hbm>> -> memref<10240xi32, #tpu.memory_space<hbm>>
      %dma_wait3A_39 = arith.constant 0 : i32
      %dma_wait3A_40 = tpu.memref_slice %arg3[%add3A_25, %dma_wait3A_39] : memref<128x10240xi32, #tpu.memory_space<hbm>> -> memref<1x10240xi32, #tpu.memory_space<hbm>>
      %dma_wait3A_41 = tpu.memref_squeeze %dma_wait3A_40 : memref<1x10240xi32, #tpu.memory_space<hbm>> -> memref<10240xi32, #tpu.memory_space<hbm>>
      tpu.wait_dma2 semaphore(%run_scoped3A : memref<!tpu.dma_semaphore, #tpu.memory_space<semaphore_mem>>) src(%arg8 : memref<10240xi32, #tpu.memory_space<vmem>>) dst(%dma_wait3A_41 : memref<10240xi32, #tpu.memory_space<hbm>>)
      tpu.yield
    }) : () -> ()
    %add3A_26 = arith.constant 64 : i32
    %add3A_27 = arith.addi %add3A_26, %add3A : i32
    "tpu.region"() ({
      %run_scoped3A = tpu.sem_alloc : memref<!tpu.dma_semaphore, #tpu.memory_space<semaphore_mem>>
      %dma_start3A_30 = arith.constant 0 : i32
      %dma_start3A_31 = tpu.memref_slice %arg3[%add3A_27, %dma_start3A_30] : memref<128x10240xi32, #tpu.memory_space<hbm>> -> memref<1x10240xi32, #tpu.memory_space<hbm>>
      %dma_start3A_32 = tpu.memref_squeeze %dma_start3A_31 : memref<1x10240xi32, #tpu.memory_space<hbm>> -> memref<10240xi32, #tpu.memory_space<hbm>>
      %dma_start3A_33 = arith.constant 0 : i32
      %dma_start3A_34 = tpu.memref_slice %arg3[%add3A_27, %dma_start3A_33] : memref<128x10240xi32, #tpu.memory_space<hbm>> -> memref<1x10240xi32, #tpu.memory_space<hbm>>
      %dma_start3A_35 = tpu.memref_squeeze %dma_start3A_34 : memref<1x10240xi32, #tpu.memory_space<hbm>> -> memref<10240xi32, #tpu.memory_space<hbm>>
      tpu.enqueue_dma source(%arg7 : memref<10240xi32, #tpu.memory_space<vmem>>) target(%dma_start3A_35 : memref<10240xi32, #tpu.memory_space<hbm>>) target_semaphore(%run_scoped3A : memref<!tpu.dma_semaphore, #tpu.memory_space<semaphore_mem>>)
      %dma_wait3A_36 = arith.constant 0 : i32
      %dma_wait3A_37 = tpu.memref_slice %arg3[%add3A_27, %dma_wait3A_36] : memref<128x10240xi32, #tpu.memory_space<hbm>> -> memref<1x10240xi32, #tpu.memory_space<hbm>>
      %dma_wait3A_38 = tpu.memref_squeeze %dma_wait3A_37 : memref<1x10240xi32, #tpu.memory_space<hbm>> -> memref<10240xi32, #tpu.memory_space<hbm>>
      %dma_wait3A_39 = arith.constant 0 : i32
      %dma_wait3A_40 = tpu.memref_slice %arg3[%add3A_27, %dma_wait3A_39] : memref<128x10240xi32, #tpu.memory_space<hbm>> -> memref<1x10240xi32, #tpu.memory_space<hbm>>
      %dma_wait3A_41 = tpu.memref_squeeze %dma_wait3A_40 : memref<1x10240xi32, #tpu.memory_space<hbm>> -> memref<10240xi32, #tpu.memory_space<hbm>>
      tpu.wait_dma2 semaphore(%run_scoped3A : memref<!tpu.dma_semaphore, #tpu.memory_space<semaphore_mem>>) src(%arg7 : memref<10240xi32, #tpu.memory_space<vmem>>) dst(%dma_wait3A_41 : memref<10240xi32, #tpu.memory_space<hbm>>)
      tpu.yield
    }) : () -> ()
    %add3A_28 = arith.constant 96 : i32
    %add3A_29 = arith.addi %add3A_28, %add3A : i32
    "tpu.region"() ({
      %run_scoped3A = tpu.sem_alloc : memref<!tpu.dma_semaphore, #tpu.memory_space<semaphore_mem>>
      %dma_start3A_30 = arith.constant 0 : i32
      %dma_start3A_31 = tpu.memref_slice %arg3[%add3A_29, %dma_start3A_30] : memref<128x10240xi32, #tpu.memory_space<hbm>> -> memref<1x10240xi32, #tpu.memory_space<hbm>>
      %dma_start3A_32 = tpu.memref_squeeze %dma_start3A_31 : memref<1x10240xi32, #tpu.memory_space<hbm>> -> memref<10240xi32, #tpu.memory_space<hbm>>
      %dma_start3A_33 = arith.constant 0 : i32
      %dma_start3A_34 = tpu.memref_slice %arg3[%add3A_29, %dma_start3A_33] : memref<128x10240xi32, #tpu.memory_space<hbm>> -> memref<1x10240xi32, #tpu.memory_space<hbm>>
      %dma_start3A_35 = tpu.memref_squeeze %dma_start3A_34 : memref<1x10240xi32, #tpu.memory_space<hbm>> -> memref<10240xi32, #tpu.memory_space<hbm>>
      tpu.enqueue_dma source(%arg9 : memref<10240xi32, #tpu.memory_space<vmem>>) target(%dma_start3A_35 : memref<10240xi32, #tpu.memory_space<hbm>>) target_semaphore(%run_scoped3A : memref<!tpu.dma_semaphore, #tpu.memory_space<semaphore_mem>>)
      %dma_wait3A_36 = arith.constant 0 : i32
      %dma_wait3A_37 = tpu.memref_slice %arg3[%add3A_29, %dma_wait3A_36] : memref<128x10240xi32, #tpu.memory_space<hbm>> -> memref<1x10240xi32, #tpu.memory_space<hbm>>
      %dma_wait3A_38 = tpu.memref_squeeze %dma_wait3A_37 : memref<1x10240xi32, #tpu.memory_space<hbm>> -> memref<10240xi32, #tpu.memory_space<hbm>>
      %dma_wait3A_39 = arith.constant 0 : i32
      %dma_wait3A_40 = tpu.memref_slice %arg3[%add3A_29, %dma_wait3A_39] : memref<128x10240xi32, #tpu.memory_space<hbm>> -> memref<1x10240xi32, #tpu.memory_space<hbm>>
      %dma_wait3A_41 = tpu.memref_squeeze %dma_wait3A_40 : memref<1x10240xi32, #tpu.memory_space<hbm>> -> memref<10240xi32, #tpu.memory_space<hbm>>
      tpu.wait_dma2 semaphore(%run_scoped3A : memref<!tpu.dma_semaphore, #tpu.memory_space<semaphore_mem>>) src(%arg9 : memref<10240xi32, #tpu.memory_space<vmem>>) dst(%dma_wait3A_41 : memref<10240xi32, #tpu.memory_space<hbm>>)
      tpu.yield
    }) : () -> ()
    return
  }
}

module attributes {stable_mosaic.version = 14 : i64} {
  func.func @_tc_lookup_body(%arg0: i32, %arg1: memref<5120x128xf32, #tpu.memory_space<vmem>>, %arg2: memref<128x5120xi32, #tpu.memory_space<vmem>>, %arg3: memref<256x128xf32, #tpu.memory_space<vmem>>, %arg4: memref<256x128xf32, #tpu.memory_space<vmem>>, %arg5: memref<5120x128xf32, #tpu.memory_space<vmem>>) attributes {dimension_semantics = [#tpu.dimension_semantics<arbitrary>], iteration_bounds = array<i64: 2>, scalar_prefetch = 0 : i64, scratch_operands = 0 : i64, tpu.core_type = #tpu.core_type<tc>, window_params = [{transform_indices = @transform_0, window_bounds = array<i64: 5120, 128>}, {transform_indices = @transform_1, window_bounds = array<i64: 128, 5120>}, {pipeline_mode = #tpu.pipeline_mode<synchronous>, transform_indices = @transform_2, window_bounds = array<i64: 256, 128>}, {pipeline_mode = #tpu.pipeline_mode<synchronous>, transform_indices = @transform_3, window_bounds = array<i64: 256, 128>}, {transform_indices = @transform_4, window_bounds = array<i64: 5120, 128>}]} {
    %get3A = arith.constant 0 : index
    %get3A_0 = arith.constant 0 : index
    %get3A_1 = vector.load %arg2[%get3A, %get3A_0] : memref<128x5120xi32, #tpu.memory_space<vmem>>, vector<128x5120xi32>
    %slice3A = vector.extract_strided_slice %get3A_1 {offsets = [0, 0], sizes = [64, 5120], strides = [1, 1]} : vector<128x5120xi32> to vector<64x5120xi32>
    %reduce_sum3A = arith.constant dense<0> : vector<5120xi32>
    %reduce_sum3A_2 = vector.multi_reduction <add>, %slice3A, %reduce_sum3A [0] : vector<64x5120xi32> to vector<5120xi32>
    %broadcast_in_dim3A = vector.shape_cast %reduce_sum3A_2 : vector<5120xi32> to vector<1x5120xi32>
    %min3A = arith.constant 255 : i32
    %min3A_3 = vector.broadcast %min3A : i32 to vector<1x5120xi32>
    %min3A_4 = arith.minsi %broadcast_in_dim3A, %min3A_3 : vector<1x5120xi32>
    %slice3A_5 = vector.extract_strided_slice %get3A_1 {offsets = [64, 0], sizes = [64, 5120], strides = [1, 1]} : vector<128x5120xi32> to vector<64x5120xi32>
    %reduce_sum3A_6 = arith.constant dense<0> : vector<5120xi32>
    %reduce_sum3A_7 = vector.multi_reduction <add>, %slice3A_5, %reduce_sum3A_6 [0] : vector<64x5120xi32> to vector<5120xi32>
    %broadcast_in_dim3A_8 = vector.shape_cast %reduce_sum3A_7 : vector<5120xi32> to vector<1x5120xi32>
    %min3A_9 = arith.constant 255 : i32
    %min3A_10 = vector.broadcast %min3A_9 : i32 to vector<1x5120xi32>
    %min3A_11 = arith.minsi %broadcast_in_dim3A_8, %min3A_10 : vector<1x5120xi32>
    %iota3A = tpu.iota {dimensions = array<i32: 0>} : vector<256x5120xi32>
    %broadcast_in_dim3A_12 = vector.shape_cast %min3A_4 : vector<1x5120xi32> to vector<1x5120xi32>
    %broadcast_in_dim3A_13 = vector.broadcast %broadcast_in_dim3A_12 : vector<1x5120xi32> to vector<256x5120xi32>
    %eq3A = arith.cmpi eq, %broadcast_in_dim3A_13, %iota3A : vector<256x5120xi32>
    %convert_element_type3A = arith.extui %eq3A : vector<256x5120xi1> to vector<256x5120xi32>
    %convert_element_type3A_14 = arith.sitofp %convert_element_type3A : vector<256x5120xi32> to vector<256x5120xf32>
    %convert_element_type3A_15 = arith.truncf %convert_element_type3A_14 : vector<256x5120xf32> to vector<256x5120xbf16>
    %broadcast_in_dim3A_16 = vector.shape_cast %min3A_11 : vector<1x5120xi32> to vector<1x5120xi32>
    %broadcast_in_dim3A_17 = vector.broadcast %broadcast_in_dim3A_16 : vector<1x5120xi32> to vector<256x5120xi32>
    %eq3A_18 = arith.cmpi eq, %broadcast_in_dim3A_17, %iota3A : vector<256x5120xi32>
    %convert_element_type3A_19 = arith.extui %eq3A_18 : vector<256x5120xi1> to vector<256x5120xi32>
    %convert_element_type3A_20 = arith.sitofp %convert_element_type3A_19 : vector<256x5120xi32> to vector<256x5120xf32>
    %convert_element_type3A_21 = arith.truncf %convert_element_type3A_20 : vector<256x5120xf32> to vector<256x5120xbf16>
    %get3A_22 = arith.constant 0 : index
    %get3A_23 = arith.constant 0 : index
    %get3A_24 = vector.load %arg1[%get3A_22, %get3A_23] : memref<5120x128xf32, #tpu.memory_space<vmem>>, vector<5120x128xf32>
    %get3A_25 = arith.constant 0 : index
    %get3A_26 = arith.constant 0 : index
    %get3A_27 = vector.load %arg3[%get3A_25, %get3A_26] : memref<256x128xf32, #tpu.memory_space<vmem>>, vector<256x128xf32>
    %convert_element_type3A_28 = arith.truncf %get3A_27 : vector<256x128xf32> to vector<256x128xbf16>
    %convert_element_type3A_29 = arith.extf %convert_element_type3A_28 : vector<256x128xbf16> to vector<256x128xf32>
    %sub3A = arith.subf %get3A_27, %convert_element_type3A_29 : vector<256x128xf32>
    %convert_element_type3A_30 = arith.truncf %sub3A : vector<256x128xf32> to vector<256x128xbf16>
    %dot_general3A = arith.constant dense<0.000000e+00> : vector<5120x128xf32>
    %dot_general3A_31 = tpu.matmul %convert_element_type3A_15, %convert_element_type3A_28, %dot_general3A {dimension_numbers = #tpu.dot_dimension_numbers<[0], [0], [1], [1], [0, 1, 1, 1], [], []>, transpose_lhs_hint = false} : vector<256x5120xbf16>, vector<256x128xbf16>, vector<5120x128xf32> -> vector<5120x128xf32>
    %add3A = arith.addf %get3A_24, %dot_general3A_31 : vector<5120x128xf32>
    %dot_general3A_32 = arith.constant dense<0.000000e+00> : vector<5120x128xf32>
    %dot_general3A_33 = tpu.matmul %convert_element_type3A_15, %convert_element_type3A_30, %dot_general3A_32 {dimension_numbers = #tpu.dot_dimension_numbers<[0], [0], [1], [1], [0, 1, 1, 1], [], []>, transpose_lhs_hint = false} : vector<256x5120xbf16>, vector<256x128xbf16>, vector<5120x128xf32> -> vector<5120x128xf32>
    %add3A_34 = arith.addf %add3A, %dot_general3A_33 : vector<5120x128xf32>
    %get3A_35 = arith.constant 0 : index
    %get3A_36 = arith.constant 0 : index
    %get3A_37 = vector.load %arg4[%get3A_35, %get3A_36] : memref<256x128xf32, #tpu.memory_space<vmem>>, vector<256x128xf32>
    %convert_element_type3A_38 = arith.truncf %get3A_37 : vector<256x128xf32> to vector<256x128xbf16>
    %convert_element_type3A_39 = arith.extf %convert_element_type3A_38 : vector<256x128xbf16> to vector<256x128xf32>
    %sub3A_40 = arith.subf %get3A_37, %convert_element_type3A_39 : vector<256x128xf32>
    %convert_element_type3A_41 = arith.truncf %sub3A_40 : vector<256x128xf32> to vector<256x128xbf16>
    %dot_general3A_42 = arith.constant dense<0.000000e+00> : vector<5120x128xf32>
    %dot_general3A_43 = tpu.matmul %convert_element_type3A_21, %convert_element_type3A_38, %dot_general3A_42 {dimension_numbers = #tpu.dot_dimension_numbers<[0], [0], [1], [1], [0, 1, 1, 1], [], []>, transpose_lhs_hint = false} : vector<256x5120xbf16>, vector<256x128xbf16>, vector<5120x128xf32> -> vector<5120x128xf32>
    %add3A_44 = arith.addf %add3A_34, %dot_general3A_43 : vector<5120x128xf32>
    %dot_general3A_45 = arith.constant dense<0.000000e+00> : vector<5120x128xf32>
    %dot_general3A_46 = tpu.matmul %convert_element_type3A_21, %convert_element_type3A_41, %dot_general3A_45 {dimension_numbers = #tpu.dot_dimension_numbers<[0], [0], [1], [1], [0, 1, 1, 1], [], []>, transpose_lhs_hint = false} : vector<256x5120xbf16>, vector<256x128xbf16>, vector<5120x128xf32> -> vector<5120x128xf32>
    %add3A_47 = arith.addf %add3A_44, %dot_general3A_46 : vector<5120x128xf32>
    %swap3A = arith.constant 0 : index
    %swap3A_48 = arith.constant 0 : index
    %swap3A_49 = vector.load %arg5[%swap3A, %swap3A_48] : memref<5120x128xf32, #tpu.memory_space<vmem>>, vector<5120x128xf32>
    tpu.vector_store %arg5[%swap3A, %swap3A_48], %add3A_47 {strides = array<i32>} : memref<5120x128xf32, #tpu.memory_space<vmem>>, vector<5120x128xf32>,
    return
  }
  func.func @transform_0(%arg0: i32) -> (i32, i32) {
    %c0_i32 = arith.constant 0 : i32
    %c0_i32_0 = arith.constant 0 : i32
    return %arg0, %c0_i32 : i32, i32
  }
  func.func @transform_1(%arg0: i32) -> (i32, i32) {
    %c0_i32 = arith.constant 0 : i32
    %c0_i32_0 = arith.constant 0 : i32
    return %c0_i32, %arg0 : i32, i32
  }
  func.func @transform_2(%arg0: i32) -> (i32, i32) {
    %c0_i32 = arith.constant 0 : i32
    %c0_i32_0 = arith.constant 0 : i32
    %c0_i32_1 = arith.constant 0 : i32
    return %c0_i32, %c0_i32_0 : i32, i32
  }
  func.func @transform_3(%arg0: i32) -> (i32, i32) {
    %c0_i32 = arith.constant 0 : i32
    %c0_i32_0 = arith.constant 0 : i32
    %c0_i32_1 = arith.constant 0 : i32
    return %c0_i32, %c0_i32_0 : i32, i32
  }
  func.func @transform_4(%arg0: i32) -> (i32, i32) {
    %c0_i32 = arith.constant 0 : i32
    %c0_i32_0 = arith.constant 0 : i32
    return %arg0, %c0_i32 : i32, i32
  }
}

</mosaic_0001>

<sc_bundles>
// kernel: kernel.4.cloned.1.call-start
scs
__scs_entry_jumppad:
0x0: {  	(pc) =	sbr.rel $0x88, $3  }
0x1: {  	(tag) =	ssettag $0x0;
	lr =	simm.s32 $0x1  }
0x2: {  	[smem:$0x3F9D] =	sst lr;
	_ =	strace $0xD0000000  }
0x3: {  	_ = 	snop  }
0x4: {  	_ = 	snop  }
0x5: {  	_ = 	snop  }
0x6: {  	_ = 	snop  }
0x7: {  	_ = 	snop  }
__scs_overlays_trampoline_lowered:
0x8: {  	[smem:$0x3FAC] =	sst s0  }
0x9: {  	[smem:$0x3FAD] =	sst s1  }
0xa: {  	[smem:$0x3FAE] =	sst s2  }
0xb: {  	[smem:$0x3FAF] =	sst s3  }
0xc: {  	[smem:$0x3FB0] =	sst s4  }
0xd: {  	[smem:$0x3FB1] =	sst s5  }
0xe: {  	[smem:$0x3FB2] =	sst s6  }
0xf: {  	[smem:$0x3FB3] =	sst s7  }
0x10: {  	[smem:$0x3FB4] =	sst s8  }
0x11: {  	[smem:$0x3FB5] =	sst s9;
	s0 =	simm.s32 @!p0 $0x0  }
0x12: {  	s1 =	sld [smem:$0x3F9B];
	s0 =	simm.s32 @p0 $0x1  }
0x13: {  	[smem:$0x3FB6] =	sst s0;
	s0 =	simm.s32 @!p1 $0x0  }
0x14: {  	s2 =	sld [smem:$0x3F9A];
	s0 =	simm.s32 @p1 $0x1  }
0x15: {  	[smem:$0x3FB7] =	sst s0;
	s0 =	simm.s32 @!p2 $0x0  }
0x16: {  	s3 =	sld [smem:$0x3FDB];
	s0 =	simm.s32 @p2 $0x1  }
0x17: {  	s4 =	simm.s32 $0x1BF5;
	[smem:$0x3FB9] =	sst s0  }
0x18: {  	s0 =	sld [smem:$0x3F9C];
	_ =	swait.ge [sflag:s4], $0x0  }
0x19: {  	s7 =	sld [smem:$0x3F9D]  }
0x1a: {  	s8 =	sadd.s32 $0xFFFFE003, lr  }
0x1b: {  	s9 =	sadd.s32 $0xFFFFFEF7, lr;
	s5 =	simm.s32 $0xFFFFFFFF;
	p2 =	slt.u32 s8, $0xFFFFF086  }
0x1c: {  	p1 =	slt.u32 s9, $0xF7A;
	s5 =	simm.s32 @!p2 $0x0  }
0x1d: {  	s5 =	simm.s32 @p1 $0x1;
	p0 =	seq.s32 s7, s2  }
0x1e: {  	s7 =	smul.u32 @!p0 $0xF7A, s2;
	p2 =	seq.s32 @!p0 s5, $0x0  }
0x1f: {  	s9 =	smul.u32 $0xF7A, s1;
	s8 =	simm.s32 @!p0 $0x1BF5;
	p2 =	por !p2, p0  }
0x20: {  	[sflag:s8] =	ssyncset.s32 @!p0 $0xFFFFF086;
	s6 =	sadd.s32 @!p0 s3, s7;
	s7 =	simm.s32 @!p0 $0x108  }
0x21: {  	s3 =	sadd.s32 s3, s9;
	s6 =	sadd.s32 @!p0 $0x88, s6;
	s7 =	simm.s32 @p2 $0x1082  }
0x22: {  	[simem:s7], [sflag:s8] =	dma.local @!p0 [hbm:s6], $0xF7A  }
0x23: {  	s9 =	sor.u32 $0xD0000000, s2;
	s6 =	simm.s32 $0x108;
	_ =	swait.ge @!p0 [sflag:s8], $0x0  }
0x24: {  	s3 =	sadd.s32 $0x88, s3;
	s6 =	simm.s32 @!p1 $0x1082;
	[sflag:s4] =	ssyncset.s32 $0xFFFFF086  }
0x25: {  	[simem:s6], [sflag:s4] =	dma.local [hbm:s3], $0xF7A  }
0x26: {  	[smem:$0x3F9D] =	sst s1;
	(tag) =	ssettag s2;
	_ =	strace s9  }
0x27: {  	s1 =	sld [smem:$0x3FAD]  }
0x28: {  	s2 =	sld [smem:$0x3FAE]  }
0x29: {  	s4 =	sld [smem:$0x3FB0]  }
0x2a: {  	p0 =	seq.s32 s5, $0x0;
	s5 =	sld [smem:$0x3FB1]  }
0x2b: {  	s6 =	sld [smem:$0x3FB2]  }
0x2c: {  	s7 =	sld [smem:$0x3FB3]  }
0x2d: {  	s3 =	simm.s32 $0x108;
	s8 =	sld [smem:$0x3FB4]  }
0x2e: {  	s3 =	simm.s32 @!p0 $0x1082;
	s9 =	sld [smem:$0x3FB5]  }
0x2f: {  	lr =	sadd.s32 s0, s3;
	s0 =	sld [smem:$0x3FAC]  }
0x30: {  	s3 =	sld [smem:$0x3FAF]  }
0x31: {  	[smem:$0x3FB8] =	sst s10  }
0x32: {  	s10 =	sld [smem:$0x3FB6];
	_ =	sdelay $0x3  }
0x33: {  	p0 =	seq.s32 s10, $0x1;
	s10 =	sld [smem:$0x3FB8];
	_ =	sdelay $0x3  }
0x34: {  	[smem:$0x3FB8] =	sst s10  }
0x35: {  	s10 =	sld [smem:$0x3FB7];
	_ =	sdelay $0x3  }
0x36: {  	p1 =	seq.s32 s10, $0x1;
	s10 =	sld [smem:$0x3FB8];
	_ =	sdelay $0x3  }
0x37: {  	[smem:$0x3FB8] =	sst s10  }
0x38: {  	s10 =	sld [smem:$0x3FB9]  }
0x39: {  	_ = 	snop;
	(pc) =	sbr.ind lr, $3  }
0x3a: {  	_ = 	snop  }
0x3b: {  	_ = 	snop  }
0x3c: {  	p2 =	seq.s32 s10, $0x1;
	s10 =	sld [smem:$0x3FB8]  }
0x3d: {  	_ =	shalt  }
0x3e: {  	_ =	shalt  }
0x3f: {  	_ =	shalt  }
0x40: {  	_ =	shalt  }
0x41: {  	_ =	shalt  }
0x42: {  	_ =	shalt  }
0x43: {  	_ =	shalt  }
0x44: {  	_ =	shalt  }
0x45: {  	_ =	shalt  }
0x46: {  	_ =	shalt  }
0x47: {  	_ =	shalt  }
0x48: {  	_ =	shalt  }
0x49: {  	_ =	shalt  }
0x4a: {  	_ =	shalt  }
0x4b: {  	_ =	shalt  }
0x4c: {  	_ =	shalt  }
0x4d: {  	_ =	shalt  }
0x4e: {  	_ =	shalt  }
0x4f: {  	_ =	shalt  }
0x50: {  	_ =	shalt  }
0x51: {  	_ =	shalt  }
0x52: {  	_ =	shalt  }
0x53: {  	_ =	shalt  }
0x54: {  	_ =	shalt  }
0x55: {  	_ =	shalt  }
0x56: {  	_ =	shalt  }
0x57: {  	_ =	shalt  }
0x58: {  	_ =	shalt  }
0x59: {  	_ =	shalt  }
0x5a: {  	_ =	shalt  }
0x5b: {  	_ =	shalt  }
0x5c: {  	_ =	shalt  }
0x5d: {  	_ =	shalt  }
0x5e: {  	_ =	shalt  }
0x5f: {  	_ =	shalt  }
0x60: {  	_ =	shalt  }
0x61: {  	_ =	shalt  }
0x62: {  	_ =	shalt  }
0x63: {  	_ =	shalt  }
0x64: {  	_ =	shalt  }
0x65: {  	_ =	shalt  }
0x66: {  	_ =	shalt  }
0x67: {  	_ =	shalt  }
0x68: {  	_ =	shalt  }
0x69: {  	_ =	shalt  }
0x6a: {  	_ =	shalt  }
0x6b: {  	_ =	shalt  }
0x6c: {  	_ =	shalt  }
0x6d: {  	_ =	shalt  }
0x6e: {  	_ =	shalt  }
0x6f: {  	_ =	shalt  }
0x70: {  	_ =	shalt  }
0x71: {  	_ =	shalt  }
0x72: {  	_ =	shalt  }
0x73: {  	_ =	shalt  }
0x74: {  	_ =	shalt  }
0x75: {  	_ =	shalt  }
0x76: {  	_ =	shalt  }
0x77: {  	_ =	shalt  }
0x78: {  	_ =	shalt  }
0x79: {  	_ =	shalt  }
0x7a: {  	_ =	shalt  }
0x7b: {  	_ =	shalt  }
0x7c: {  	_ =	shalt  }
0x7d: {  	_ =	shalt  }
0x7e: {  	_ =	shalt  }
0x7f: {  	_ =	shalt  }
0x80: {  	_ =	shalt  }
0x81: {  	_ =	shalt  }
0x82: {  	_ =	shalt  }
0x83: {  	_ =	shalt  }
0x84: {  	_ =	shalt  }
0x85: {  	_ =	shalt  }
0x86: {  	_ =	shalt  }
0x87: {  	_ =	shalt  }
.Lfunc_end0:
.L_simem_size_0:
called_computation_lowered:
.L_overlay_start_0:
0x88: {  	s2 =	sld [smem:$0x3FD9]  }
0x89: {  	s3 =	sld [smem:$0x3FFE];
	_ =	sdelay $0x1  }
0x8a: {  	s1 =	srdreg.scid  }
0x8b: {  	s0 =	sand.u32 $0x1, s1  }
0x8c: {  	s17 =	sshll.u32 s0, $0xA;
	s2 =	sadd.s32 s3, s2  }
0x8d: {  	s2 =	sadd.s32 s2, s17  }
0x8e: {  	[smem:$0x3FC4] =	sst s2  }
0x8f: {  	_ = 	snop  }
0x90: {  	s2 =	sld [smem:$0x3FD0];
	(tm) =	ssettm $0x1  }
0x91: {  	s18 =	sld [smem:$0x3FFB];
	_ =	sdelay $0x3  }
0x92: {  	_ =	strace s18  }
0x93: {  	s3 =	sld [smem:$0x3FFC];
	_ =	sdelay $0x3  }
0x94: {  	_ =	strace s3  }
0x95: {  	s3 =	sld [smem:$0x3FFD];
	_ =	sdelay $0x3  }
0x96: {  	_ =	strace s3  }
0x97: {  	_ =	strace $0x8FFFFFFF  }
0x98: {  	s19 =	sld [smem:$0x3FDB];
	_ =	sdelay $0x1  }
0x99: {  	s4 =	simm.s32 $_scs_section_size  }
0x9a: {  	s5 =	simm.s32 $_size__tile_overlayer_lowered;
	s6 =	simm.s32 $_tile_overlayer_lowered  }
0x9b: {  	s22 =	simm.s32 $0x1BFF;
	s21 =	sshll.u32 s6, $0x1;
	s3 =	sadd.s32 s4, s19  }
0x9c: {  	s7 =	simm.s32 $0x0;
	s20 =	sshll.u32 s5, $0x1;
	s5 =	sadd.s32 s21, s3  }
0x9d: {  	[timem:s7], [sflag:s22] =	dma.local [hbm:s5], s20  }
0x9e: {  	_ =	swait.ge [sflag:s22], s20  }
0x9f: {  	s4 =	ssub.s32 $0x0, s20;
	[sflag:s22] =	ssyncset.done $0x0  }
0xa0: {  	[sflag:s22] =	ssyncadd.s32 s4;
	_ =	sdelay $0x1  }
0xa1: {  	s23 =	simm.s32 $0x1B8B  }
0xa2: {  	_ =	swait.ge [sflag:s23], $0x1  }
0xa3: {  	[sflag:s23] =	ssyncset.done $0x0  }
0xa4: {  	s25 =	simm.s32 $0x1B8E;
	s24 =	sld [smem:$0x3FFE];
	[sflag:s23] =	ssyncadd.s32 $0xFFFFFFFF  }
0xa5: {  	s26 =	simm.s32 $execute0_lowered;
	[smem:$0x3FD2] =	sst s25  }
0xa6: {  	s5 =	sshll.u32 s26, $0x1;
	_ =	strace $0x80000046;
	[dreg:$0x1] =	wrdreg $0xFFFFFFFF  }
0xa7: {  	s28 =	simm.s32 $_size_execute0_lowered;
	s3 =	sadd.s32 s3, s5;
	[dreg:$0x0] =	wrdreg $0x0  }
0xa8: {  	s5 =	sshll.u32 s28, $0x1;
	[dreg:$0x2] =	wrdreg s3  }
0xa9: {  	[dreg:$0x3] =	wrdreg s5  }
0xaa: {  	[dreg:$0x4] =	wrdreg $0xC0  }
0xab: {  	_ =	task [dreg:s7], $0x5FFFF  }
0xac: {  	[dreg:$0x1] =	wrdreg $0xFFFFFFFF  }
0xad: {  	[dreg:$0x0] =	wrdreg $0x60  }
0xae: {  	[dreg:$0x2] =	wrdreg s2  }
0xaf: {  	[dreg:$0x3] =	wrdreg s24  }
0xb0: {  	[dreg:$0x4] =	wrdreg $0x9  }
0xb1: {  	_ =	task.clear_ibuf [dreg:s7], $0x5FFFF;
	_ =	strace $0x90000046  }
0xb2: {  	s29 =	simm.s32 $0x9;
	_ =	strace $0x80000048  }
0xb3: {  	_ =	swait.ge [sflag:s29], $0x1  }
0xb4: {  	[sflag:s29] =	ssyncadd.s32 $0xFFFFFFFF  }
0xb5: {  	_ =	strace $0x90000048  }
0xb6: {  	_ =	sfence  }
0xb7: {  	s30 =	sld [smem:$0x0];
	_ =	sdelay $0x2  }
0xb8: {  	s31 =	sshll.u32 s1, $0xD;
	s1 =	sshrl.u32 s1, $0x2  }
0xb9: {  	s3 =	sand.u32 $0x4000, s31;
	s1 =	sadd.s32 s1, s30  }
0xba: {  	s0 =	sor.u32 s3, s0;
	s1 =	sshll.u32 s1, $0x11  }
0xbb: {  	s0 =	sor.u32 s1, s0  }
0xbc: {  	s0 =	sadd.s32 $0x8F2B, s0  }
0xbd: {  	[sflag:s0] =	ssyncadd.remote.s32 $0x1  }
0xbe: {  	_ =	sfence.sel $0xFFFF  }
0xbf: {  	[dreg:$0x0] =	wrdreg $0xFFFFFFFF;
	(pc) =	sbr.abs _section_cstart, $3  }
0xc0: {  	[dreg:$0x1] =	wrdreg $0xFFFFFFFF  }
0xc1: {  	_ =	task.clear_ibuf [dreg:s7], $0x2FFFF;
	_ =	strace $0x9FFFFFFF  }
0xc2: {  	(tm) =	ssettm $0x7FFFFFFF  }
0xc3: {  	_ =	shalt  }
tec
execute0_lowered:
.L_overlay_start_1:
0x0: {  	(tag) =	ssettag $0x1  }
0x1: {  	s3 =	rddreg [dreg:$0x0]  }
0x2: {  	s4 =	rddreg [dreg:$0x1]  }
0x3: {  	s1 =	srdreg.scid;
	s0 =	rddreg [dreg:$0x2]  }
0x4: {  	s2 =	simm.s32 $0x0;
	s12 =	simm.s32 $0x7700;
	s13 =	simm.s32 $0x4F00  }
0x5: {  	s14 =	simm.s32 $0xC700;
	s15 =	simm.s32 $0x9F00;
	s16 =	simm.s32 $0x80  }
0x6: {  	s17 =	simm.s32 $0x400;
	s18 =	simm.s32 $0x2;
	s5 =	sand.u32 $0x1, s1  }
0x7: {  	s19 =	simm.s32 $0x0;
	s1 =	stileid.u32;
	s6 =	sshll.u32 s5, $0x4  }
0x8: {  	[smem:$0x7FF] =	sst s2;
	s8 =	sadd.s32 $0x1200, s4;
	s6 =	sor.u32 s1, s6  }
0x9: {  	_ =	strace $0x80000047;
	s7 =	smul.u32 $0x2710, s6;
	s6 =	sshrl.u32 s6, $0x3  }
0xa: {  	s28 =	sshll.u32 s1, $0x7;
	s5 =	ssub.s32 $0x2, s5;
	s26 =	smul.u32 $0x14000, s6  }
0xb: {  	s9 =	sshrl.u32 s5, $0x1;
	s6 =	sand.u32 $0x380, s28;
	s7 =	sshrl.u32 s7, $0x3  }
0xc: {  	s9 =	ssub.s32 s5, s9;
	s3 =	sadd.s32 s3, s7;
	s6 =	sor.u32 s6, s26  }
0xd: {  	s9 =	smax.u32 s9, $0x1;
	s4 =	sadd.s32 $0x9C40, s3;
	s29 =	sshrl.u32 s6, $0x3  }
0xe: {  	s30 =	sadd.s32 $0x50000, s6;
	s10 =	sadd.s32 $0xA0000, s6;
	s11 =	sadd.s32 $0xF0000, s6  }
0xf: {  	s5 =	sadd.s32 s8, s29;
	s7 =	sshrl.u32 s30, $0x3;
	s10 =	sshrl.u32 s10, $0x3  }
0x10: {  	s31 =	sshrl.u32 s11, $0x3;
	s11 =	simm.s32 $0x1;
	s6 =	sadd.s32 s8, s7  }
0x11: {  	v0 =	vimm.s32 $0x0;
	v1 =	vimm.s32 $0x1;
	s7 =	sadd.s32 s8, s10;
	s8 =	sadd.s32 s8, s31;
	s10 =	simm.s32 $0x2780  }
.LBB2_1:
0x12: {  	[tilespmem:s2], [sflag:$0x1] =	stream.linear.gather [hbm4b:s3+s2], $0x2710, $0x38;
	[tilespmem:$0xEF00] =	vst v63  }
0x13: {  	s20 =	simm.s32 $0x4F20  }
0x14: {  	[tilespmem:s10], [sflag:$0x1] =	stream.linear.gather [hbm4b:s4+s2], $0x2710, $0x38;
	[tilespmem:$0xEF00] =	vst v63  }
0x15: {  	[tilespmem:s20+$0x10] =	vst v0  }
0x16: {  	[tilespmem:s20+$0x0] =	vst v0  }
0x17: {  	[tilespmem:s20+$0xFFFFFFE0] =	vst v0  }
0x18: {  	s23 =	simm.s32 $0x7720;
	[tilespmem:s20+$0xFFFFFFF0] =	vst v0  }
0x19: {  	[tilespmem:s23+$0xFFFFFFF0] =	vst v0  }
0x1a: {  	[tilespmem:s23+$0xFFFFFFE0] =	vst v0  }
0x1b: {  	[tilespmem:s23+$0x0] =	vst v0  }
0x1c: {  	s21 =	simm.s32 $0x9F20;
	s22 =	simm.s32 $0xC720;
	[tilespmem:s23+$0x10] =	vst v0  }
0x1d: {  	s24 =	simm.s32 $0x0;
	s25 =	simm.s32 $0x9F60;
	s26 =	simm.s32 $0xC760;
	[tilespmem:s21+$0xFFFFFFE0] =	vst v0  }
.LBB2_2:
0x1e: {  	s24 =	sadd.s32 $0x2, s24;
	[tilespmem:s21+$0xFFFFFFF0] =	vst v0;
	s20 =	sadd.s32 $0x40, s20;
	s23 =	sadd.s32 $0x40, s23  }
0x1f: {  	p0 =	slt.u32 s24, $0x13E;
	[tilespmem:s21+$0x0] =	vst v0  }
0x20: {  	[tilespmem:s22+$0xFFFFFFE0] =	vst v0  }
0x21: {  	[tilespmem:s22+$0xFFFFFFF0] =	vst v0  }
0x22: {  	[tilespmem:s21+$0x10] =	vst v0;
	s21 =	smov.u32 s25  }
0x23: {  	[tilespmem:s22+$0x0] =	vst v0  }
0x24: {  	[tilespmem:s22+$0x10] =	vst v0;
	s22 =	smov.u32 s26  }
0x25: {  	[tilespmem:s20+$0x10] =	vst v0  }
0x26: {  	[tilespmem:s20+$0x0] =	vst v0  }
0x27: {  	[tilespmem:s20+$0xFFFFFFE0] =	vst v0  }
0x28: {  	[tilespmem:s20+$0xFFFFFFF0] =	vst v0  }
.Ltmp0:
0x29: {  	[tilespmem:s23+$0xFFFFFFF0] =	vst v0;
	(pc) =	sbr.rel @p0 .LBB2_2-.Ltmp0, $4  }
0x2a: {  	[tilespmem:s23+$0xFFFFFFE0] =	vst v0  }
0x2b: {  	[tilespmem:s25+$0xFFFFFFE0] =	vst v0  }
0x2c: {  	[tilespmem:s23+$0x0] =	vst v0  }
0x2d: {  	s26 =	sadd.s32 $0x40, s26;
	s25 =	sadd.s32 $0x40, s25;
	[tilespmem:s23+$0x10] =	vst v0  }
0x2e: {  	[tilespmem:s21+$0xFFFFFFF0] =	vst v0  }
0x2f: {  	[tilespmem:s21+$0x0] =	vst v0  }
0x30: {  	[tilespmem:s21+$0x10] =	vst v0  }
0x31: {  	[tilespmem:s22+$0xFFFFFFE0] =	vst v0  }
0x32: {  	[tilespmem:s22+$0xFFFFFFF0] =	vst v0  }
0x33: {  	[tilespmem:s22+$0x0] =	vst v0  }
0x34: {  	[tilespmem:s22+$0x10] =	vst v0  }
0x35: {  	_ =	swait.ge [sflag:s11], $0x2710  }
0x36: {  	[sflag:s11] =	ssyncset.done $0x0  }
0x37: {  	[sflag:s11] =	ssyncadd.s32 $0xFFFFD8F0  }
0x38: {  	_ =	swait.ge [sflag:s11], $0x2710  }
0x39: {  	[sflag:s11] =	ssyncset.done $0x0  }
0x3a: {  	s31 =	simm.s32 $0x20;
	[sflag:s11] =	ssyncadd.s32 $0xFFFFD8F0  }
0x3b: {  	s23 =	simm.s32 $0x27A0;
	v2 =	vld [tilespmem:s31+$0x0]  }
0x3c: {  	v3 =	vld [tilespmem:s23+$0x0];
	_ =	sdelay $0x4  }
0x3d: {  	s20 =	simm.s32 $0x60;
	v4 =	vld [tilespmem:s23+$0xFFFFFFE0];
	vm0 =	vne.s32 v2, v3  }
0x3e: {  	s21 =	simm.s32 $0x27E0;
	v9 =	vld [tilespmem:s20+$0x0]  }
0x3f: {  	v10 =	vld [tilespmem:s21+$0x0]  }
0x40: {  	v5 =	vld [tilespmem:s31+$0xFFFFFFE0];
	_ =	sdelay $0x2  }
0x41: {  	[tilespmem:v2+s12+$0x0] =	vst.idx.add.s32.msk vm0, v1  }
0x42: {  	vm2 =	vne.s32 v9, v10;
	[tilespmem:v3+s13+$0x0] =	vst.idx.add.s32.msk vm0, v1  }
0x43: {  	vm0 =	vne.s32 v5, v4;
	v7 =	vld [tilespmem:s31+$0x10]  }
0x44: {  	v8 =	vld [tilespmem:s23+$0x10];
	_ =	sdelay $0x1  }
0x45: {  	v6 =	vld [tilespmem:s20+$0xFFFFFFE0]  }
0x46: {  	v2 =	vld [tilespmem:s21+$0xFFFFFFE0]  }
0x47: {  	[tilespmem:v9+s12+$0x0] =	vst.idx.add.s32.msk vm2, v1  }
0x48: {  	vm1 =	vne.s32 v7, v8;
	[tilespmem:v5+s12+$0x0] =	vst.idx.add.s32.msk vm0, v1  }
0x49: {  	[tilespmem:v4+s13+$0x0] =	vst.idx.add.s32.msk vm0, v1  }
0x4a: {  	v3 =	vld [tilespmem:s31+$0xFFFFFFF0]  }
0x4b: {  	v4 =	vld [tilespmem:s23+$0xFFFFFFF0]  }
0x4c: {  	[tilespmem:v10+s13+$0x0] =	vst.idx.add.s32.msk vm2, v1  }
0x4d: {  	v5 =	vld [tilespmem:s20+$0x10]  }
0x4e: {  	[tilespmem:v7+s14+$0x0] =	vst.idx.add.s32.msk vm1, v1  }
0x4f: {  	[tilespmem:v8+s15+$0x0] =	vst.idx.add.s32.msk vm1, v1;
	vm1 =	vne.s32 v6, v2  }
0x50: {  	s24 =	simm.s32 $0xA0;
	s22 =	simm.s32 $0x2;
	s23 =	simm.s32 $0x27E0;
	v7 =	vld [tilespmem:s21+$0x10];
	vm0 =	vne.s32 v3, v4  }
.LBB2_4:
0x51: {  	v8 =	vld [tilespmem:s24+$0x0];
	s21 =	sadd.s32 $0x40, s21  }
0x52: {  	v9 =	vld [tilespmem:s21+$0x0]  }
0x53: {  	v10 =	vld [tilespmem:s21+$0xFFFFFFE0]  }
0x54: {  	v11 =	vld [tilespmem:s24+$0xFFFFFFE0]  }
0x55: {  	s22 =	sadd.s32 $0x2, s22;
	[tilespmem:v6+s12+$0x0] =	vst.idx.add.s32.msk vm1, v1;
	vm2 =	vne.s32 v5, v7  }
0x56: {  	p0 =	slt.u32 s22, $0x136;
	[tilespmem:v2+s13+$0x0] =	vst.idx.add.s32.msk vm1, v1  }
0x57: {  	vm3 =	vne.s32 v8, v9;
	v12 =	vld [tilespmem:s20+$0xFFFFFFF0];
	s20 =	smov.u32 s24  }
0x58: {  	v13 =	vld [tilespmem:s23+$0xFFFFFFF0];
	v2 =	vmov v10;
	s23 =	smov.u32 s21  }
0x59: {  	vm1 =	vne.s32 v11, v2;
	[tilespmem:v3+s14+$0x0] =	vst.idx.add.s32.msk vm0, v1;
	v6 =	vmov v11  }
0x5a: {  	[tilespmem:v4+s15+$0x0] =	vst.idx.add.s32.msk vm0, v1  }
0x5b: {  	[tilespmem:v5+s14+$0x0] =	vst.idx.add.s32.msk vm2, v1  }
.Ltmp1:
0x5c: {  	[tilespmem:v7+s15+$0x0] =	vst.idx.add.s32.msk vm2, v1;
	v3 =	vmov v12;
	(pc) =	sbr.rel @p0 .LBB2_4-.Ltmp1, $4  }
0x5d: {  	[tilespmem:v8+s12+$0x0] =	vst.idx.add.s32.msk vm3, v1;
	vm0 =	vne.s32 v3, v13;
	v4 =	vmov v13  }
0x5e: {  	[tilespmem:v9+s13+$0x0] =	vst.idx.add.s32.msk vm3, v1  }
0x5f: {  	v5 =	vld [tilespmem:s24+$0x10]  }
0x60: {  	s24 =	sadd.s32 $0x40, s24;
	v7 =	vld [tilespmem:s21+$0x10]  }
0x61: {  	_ =	sdelay $0x4  }
0x62: {  	[tilespmem:v6+s12+$0x0] =	vst.idx.add.s32.msk vm1, v1  }
0x63: {  	[tilespmem:v2+s13+$0x0] =	vst.idx.add.s32.msk vm1, v1  }
0x64: {  	v2 =	vld [tilespmem:s20+$0xFFFFFFF0]  }
0x65: {  	v6 =	vld [tilespmem:s23+$0xFFFFFFF0];
	_ =	sdelay $0x2  }
0x66: {  	vm14 =	vne.s32 v5, v7;
	_ =	sdelay $0x1  }
0x67: {  	vm2 =	vne.s32 v2, v6;
	_ =	sdelay $0x1  }
0x68: {  	[tilespmem:v3+s14+$0x0] =	vst.idx.add.s32.msk vm0, v1  }
0x69: {  	[tilespmem:v4+s15+$0x0] =	vst.idx.add.s32.msk vm0, v1  }
0x6a: {  	[tilespmem:v5+s14+$0x0] =	vst.idx.add.s32.msk vm14, v1  }
0x6b: {  	[tilespmem:v7+s15+$0x0] =	vst.idx.add.s32.msk vm14, v1  }
0x6c: {  	[tilespmem:v2+s14+$0x0] =	vst.idx.add.s32.msk vm2, v1  }
0x6d: {  	[tilespmem:v6+s15+$0x0] =	vst.idx.add.s32.msk vm2, v1  }
0x6e: {  	v2 =	vld [tilespmem:$0x2700]  }
0x6f: {  	v3 =	vld [tilespmem:$0x4E80];
	_ =	sdelay $0x4  }
0x70: {  	vm15 =	vne.s32 v2, v3;
	_ =	sdelay $0x5  }
0x71: {  	[tilespmem:v2+s12+$0x0] =	vst.idx.add.s32.msk vm15, v1  }
0x72: {  	[tilespmem:v3+s13+$0x0] =	vst.idx.add.s32.msk vm15, v1  }
0x73: {  	[hbm4b:s5+s16] =	stream.strided.scatter [tilespmem:s13], [sflag:$0x2], $0x2800, s17, s16, $0x38;
	[tilespmem:$0xEF00] =	vst v63  }
0x74: {  	_ =	swait.ge [sflag:s18], $0x2800  }
0x75: {  	[sflag:s18] =	ssyncset.done $0x0  }
0x76: {  	[sflag:s18] =	ssyncadd.s32 $0xFFFFD800  }
0x77: {  	[hbm4b:s6+s16] =	stream.strided.scatter [tilespmem:s15], [sflag:$0x2], $0x2800, s17, s16, $0x38;
	[tilespmem:$0xEF00] =	vst v63  }
0x78: {  	_ =	swait.ge [sflag:s18], $0x2800  }
0x79: {  	[sflag:s18] =	ssyncset.done $0x0  }
0x7a: {  	[sflag:s18] =	ssyncadd.s32 $0xFFFFD800  }
0x7b: {  	[hbm4b:s7+s16] =	stream.strided.scatter [tilespmem:s12], [sflag:$0x2], $0x2800, s17, s16, $0x38;
	[tilespmem:$0xEF00] =	vst v63  }
0x7c: {  	s19 =	sadd.s32 $0x1, s19;
	_ =	swait.ge [sflag:s18], $0x2800  }
0x7d: {  	p0 =	sne.s32 s19, s9;
	[sflag:s18] =	ssyncset.done $0x0  }
.Ltmp2:
0x7e: {  	[sflag:s18] =	ssyncadd.s32 $0xFFFFD800;
	(pc) =	sbr.rel @p0 .LBB2_1-.Ltmp2, $4  }
0x7f: {  	[hbm4b:s8+s16] =	stream.strided.scatter [tilespmem:s14], [sflag:$0x2], $0x2800, s17, s16, $0x38;
	[tilespmem:$0xEF00] =	vst v63  }
0x80: {  	_ =	swait.ge [sflag:s18], $0x2800  }
0x81: {  	[sflag:s18] =	ssyncset.done $0x0  }
0x82: {  	[sflag:s18] =	ssyncadd.s32 $0xFFFFD800  }
0x83: {  	_ =	sfence.sel $0x180000  }
0x84: {  	[bflag:$0x0] =	sbarrier.arrive $0xFFFF  }
0x85: {  	p0 =	sne.s32 s1, $0x0;
	_ =	strace $0x90000047  }
0x86: {  	s0 =	sadd.s32 @!p0 $0x100000, s0;
	[bflag:$0x2] =	sbarrier.arrive $0xFFFF  }
0x87: {  	[sflag:s0] =	ssyncadd.tile.s32 @!p0 $0x1;
	_ =	shalt  }
.Lfunc_end2:
_tile_overlayer_lowered:
.L_overlay_start_2:
0x88: {  	(tag) =	ssettag $0x2  }
0x89: {  	s0 =	rddreg [dreg:$0x0];
	s2 =	stileid.u32  }
0x8a: {  	s1 =	rddreg [dreg:$0x1];
	p0 =	sne.s32 s2, $0x0  }
0x8b: {  	s3 =	rddreg [dreg:$0x2];
	[bflag:$0x3] =	sbarrier.arrive $0xFFFF;
	s2 =	simm.s32 @!p0 $0x1C02  }
0x8c: {  	[timem:s3], [sflag:s2] =	dma.local @!p0 [hbm:s0], s1  }
0x8d: {  	s0 =	simm.s32 @!p0 $0x2  }
0x8e: {  	_ =	swait.ge @!p0 [sflag:s0], s1  }
0x8f: {  	s1 =	ssub.s32 @!p0 $0x0, s1;
	[sflag:s0] =	ssyncset.done @!p0 $0x0  }
0x90: {  	[sflag:s0] =	ssyncadd.s32 @!p0 s1  }
0x91: {  	[bflag:$0x3] =	sbarrier.arrive $0xFFFF  }
0x92: {  	_ =	shalt  }

</sc_bundles>
